<compile_context>
chip_gen: v7x
topology: tpu7x:2x2x1
jax: 0.10.2.dev20260603
libtpu: 0.0.44.dev20260713+nightly
codegen_flags: <defaults>
</compile_context>

<pallas_src>
import dataclasses
import functools

import jax
import jax.numpy as jnp
from jax import lax
from jax.experimental import pallas as pl
from jax.experimental.pallas import tpu as pltpu
from jax.experimental.pallas import tpu_sc as plsc

N_ATOMS = 1600000
N_MOL = 50000
NC = 2
NS = 16
L = 16
NW = NC * NS
CHUNK = N_ATOMS // NW
BLK = 1000
NBLK = CHUNK // BLK
P = 50176
PS = P // NS
CHK = 3136
P2 = P + CHK + 64
PS2 = P2 // NS

_GATHER_DNUMS = jax.lax.GatherDimensionNumbers(
    offset_dims=(), collapsed_slice_dims=(0,), start_index_map=(0,))


def _sc_segment_sum_body(e_hbm, i_hbm, out_hbm,
                         e_v0, i_v0, e_v1, i_v1, z_v, ramp_v, m_v, b_v,
                         acc_a, acc_b, acc_sh, sem0, sem1):
    c = lax.axis_index("c")
    s = lax.axis_index("s")
    wid = c * NS + s
    base = wid * CHUNK

    def start_load(b, e_v, i_v, sem):
        off = base + b * BLK
        pltpu.make_async_copy(e_hbm.at[pl.ds(off, BLK)], e_v, sem).start()
        pltpu.make_async_copy(i_hbm.at[pl.ds(off, BLK)], i_v, sem).start()

    def wait_load(e_v, i_v, sem):
        pltpu.make_async_copy(e_hbm.at[pl.ds(base, BLK)], e_v, sem).wait()
        pltpu.make_async_copy(i_hbm.at[pl.ds(base, BLK)], i_v, sem).wait()

    start_load(0, e_v0, i_v0, sem0)
    start_load(1, e_v1, i_v1, sem1)

    zeros = jnp.zeros((L,), jnp.float32)

    @pl.loop(0, P2, step=L)
    def _zero_priv(j):
        acc_a[pl.ds(j, L)] = zeros
        acc_b[pl.ds(j, L)] = zeros

    @pl.loop(0, PS2, step=L)
    def _zero_z(j):
        z_v[pl.ds(j, L)] = zeros

    pltpu.sync_copy(z_v.at[pl.ds(0, PS2)], acc_sh.at[pl.ds(s * PS2, PS2)])
    plsc.subcore_barrier()


    def crunch(e_v, i_v):
        @pl.loop(0, BLK, step=L)
        def _vreg(j):
            sl = pl.ds(j, L)
            e = e_v[sl]
            ids = i_v[sl]
            c = plsc.cumsum(e)
            cnt, m_end = plsc.scan_count(ids)
            m_start = cnt == 0
            plsc.addupdate_scatter(acc_a, [ids], c, mask=m_end)
            plsc.addupdate_scatter(acc_b, [ids], e - c, mask=m_start)

    @pl.loop(0, NBLK, step=2)
    def _block(b):
        wait_load(e_v0, i_v0, sem0)

        @pl.when(b + 2 < NBLK)
        def _():
            start_load(b + 2, e_v0, i_v0, sem0)

        crunch(e_v0, i_v0)
        wait_load(e_v1, i_v1, sem1)

        @pl.when(b + 3 < NBLK)
        def _():
            start_load(b + 3, e_v1, i_v1, sem1)

        crunch(e_v1, i_v1)

    pltpu.sync_copy(i_hbm.at[pl.ds(base, L)], b_v)
    lo = jnp.min(b_v[...])
    pltpu.sync_copy(i_hbm.at[pl.ds(base + CHUNK - L, L)], b_v)
    hi = jnp.max(b_v[...])
    k0 = lax.div(lo, jnp.int32(CHK))

    @pl.loop(0, P // CHK + 1)
    def merge_body(i):
        off = pl.multiple_of((k0 + i) * CHK, CHK)

        @pl.when(off <= hi)
        def _():
            @pl.loop(0, CHK, step=L)
            def _sum2(j):
                o = pl.multiple_of(off + j, 8)
                ramp_v[pl.ds(j, L)] = lax.iota(jnp.int32, L) + (off + j)
                m_v[pl.ds(j, L)] = acc_a[pl.ds(o, L)] + acc_b[pl.ds(o, L)]

            pltpu.sync_copy(m_v, acc_sh.at[ramp_v], add=True)

    plsc.subcore_barrier()
    pltpu.sync_copy(acc_sh.at[pl.ds(s * PS, PS)], z_v.at[pl.ds(0, PS)])
    pltpu.sync_copy(z_v.at[pl.ds(0, PS)], out_hbm.at[pl.ds(c * P + s * PS, PS)])


def _sc_compiler_params():
    cp = pltpu.CompilerParams()
    if "needs_layout_passes" in pltpu.CompilerParams.__dataclass_fields__:
        cp = dataclasses.replace(cp, needs_layout_passes=False)
    return cp


def _sc_segment_sum(energies, ids):
    mesh = plsc.VectorSubcoreMesh(core_axis_name="c", subcore_axis_name="s")
    return pl.kernel(
        _sc_segment_sum_body,
        compiler_params=_sc_compiler_params(),
        out_type=jax.ShapeDtypeStruct((NC * P,), jnp.float32),
        mesh=mesh,
        scratch_types=[
            pltpu.VMEM((BLK,), jnp.float32),
            pltpu.VMEM((BLK,), jnp.int32),
            pltpu.VMEM((BLK,), jnp.float32),
            pltpu.VMEM((BLK,), jnp.int32),
            pltpu.VMEM((PS2,), jnp.float32),
            pltpu.VMEM((CHK,), jnp.int32),
            pltpu.VMEM((CHK,), jnp.float32),
            pltpu.VMEM((L,), jnp.int32),
            pltpu.VMEM((P2,), jnp.float32),
            pltpu.VMEM((P2,), jnp.float32),
            pltpu.VMEM_SHARED((P2,), jnp.float32),
            pltpu.SemaphoreType.DMA,
            pltpu.SemaphoreType.DMA,
        ],
    )(energies, ids)


def _tc_combine_body(p_ref, o_ref):
    o_ref[...] = p_ref[pl.ds(0, N_MOL)] + p_ref[pl.ds(P, N_MOL)]


def _tc_combine(partials_flat):
    return pl.pallas_call(
        _tc_combine_body,
        out_shape=jax.ShapeDtypeStruct((N_MOL,), jnp.float32),
    )(partials_flat)


@jax.jit
def _run(atomic_energies, ids):
    partials = _sc_segment_sum(atomic_energies, ids)
    return _tc_combine(partials)


def kernel(atomic_energies, batch):
    return _run(atomic_energies, batch.astype(jnp.int32))

# --- scband reference (transcript-rebuilt; emitter-appended) ---
"""Pipeline reference for scband-energy-head-89781996355968 (READ-ONLY COPY).

The authoritative reference and input builder live on the scoring server;
editing this copy changes nothing except your own understanding.
"""

import jax, jax.numpy as jnp
import numpy as np

NUM_ATOMS = 1600000
NUM_MOLECULES = 50000

def setup_inputs(seed: int = 0) -> dict:
    key = jax.random.key(seed)
    k1, k2 = jax.random.split(key)
    atomic_energies = jax.random.normal(k1, (NUM_ATOMS,), dtype=jnp.float32)
    batch = jnp.sort(jax.random.randint(k2, (NUM_ATOMS,), 0, NUM_MOLECULES, dtype=jnp.int64))
    return {"atomic_energies": atomic_energies, "batch": batch}

def reference(atomic_energies, batch):
    # EnergyHead forward with SumPooling
    ae = atomic_energies
    if ae.ndim == 1:
        ae = ae[:, None]  # unsqueeze(-1) -> [num_atoms, 1]
    # SumPooling: scatter-add atomic energies by molecule index
    molecular_energies = jax.ops.segment_sum(ae, batch, num_segments=NUM_MOLECULES)
    molecular_energies = jnp.squeeze(molecular_energies, axis=-1)  # [num_molecules]
    return molecular_energies

if __name__ == "__main__":
    import jax
    _d = setup_inputs()
    print(jax.jit(kernel)(*tuple(_d.values())))

</pallas_src>

<mosaic_0001>
#map = affine_map<(d0, d1) -> (0)>
module attributes {stable_mosaic.version = 14 : i64} {
  func.func @_sc_segment_sum_body(%arg0: i32, %arg1: i32, %arg2: memref<1600000xf32, #tpu.memory_space<hbm>>, %arg3: memref<1600000xi32, #tpu.memory_space<hbm>>, %arg4: memref<100352xf32, #tpu.memory_space<hbm>>, %arg5: memref<1000xf32, #tpu.memory_space<vmem>>, %arg6: memref<1000xi32, #tpu.memory_space<vmem>>, %arg7: memref<1000xf32, #tpu.memory_space<vmem>>, %arg8: memref<1000xi32, #tpu.memory_space<vmem>>, %arg9: memref<3336xf32, #tpu.memory_space<vmem>>, %arg10: memref<3136xi32, #tpu.memory_space<vmem>>, %arg11: memref<3136xf32, #tpu.memory_space<vmem>>, %arg12: memref<16xi32, #tpu.memory_space<vmem>>, %arg13: memref<53376xf32, #tpu.memory_space<vmem>>, %arg14: memref<53376xf32, #tpu.memory_space<vmem>>, %arg15: memref<53376xf32, #tpu.memory_space<vmem_shared>>, %arg16: memref<!tpu.dma_semaphore, #tpu.memory_space<semaphore_mem>>, %arg17: memref<!tpu.dma_semaphore, #tpu.memory_space<semaphore_mem>>) attributes {dimension_semantics = [#tpu.dimension_semantics<core_parallel>, #tpu.dimension_semantics<subcore_parallel>], iteration_bounds = array<i64: 2, 16>, scalar_prefetch = 0 : i64, scratch_operands = 13 : i64, tpu.core_type = #tpu.core_type<sc_vector_subcore>, window_params = [{transform_indices = #map}, {transform_indices = #map}, {transform_indices = #map}]} {
    %mul3A = arith.constant 16 : i32
    %mul3A_0 = arith.muli %arg0, %mul3A : i32
    %add3A = arith.addi %mul3A_0, %arg1 : i32
    %mul3A_1 = arith.constant 50000 : i32
    %mul3A_2 = arith.muli %add3A, %mul3A_1 : i32
    %add3A_3 = arith.constant 0 : i32
    %add3A_4 = arith.addi %mul3A_2, %add3A_3 : i32
    %dma_start3A = tpu.memref_slice %arg2[%add3A_4] : memref<1600000xf32, #tpu.memory_space<hbm>> -> memref<1000xf32, #tpu.memory_space<hbm>>
    %dma_start3A_5 = tpu.memref_slice %arg2[%add3A_4] : memref<1600000xf32, #tpu.memory_space<hbm>> -> memref<1000xf32, #tpu.memory_space<hbm>>
    tpu.enqueue_dma source(%dma_start3A_5 : memref<1000xf32, #tpu.memory_space<hbm>>) target(%arg5 : memref<1000xf32, #tpu.memory_space<vmem>>) target_semaphore(%arg16 : memref<!tpu.dma_semaphore, #tpu.memory_space<semaphore_mem>>)
    %dma_start3A_6 = tpu.memref_slice %arg3[%add3A_4] : memref<1600000xi32, #tpu.memory_space<hbm>> -> memref<1000xi32, #tpu.memory_space<hbm>>
    %dma_start3A_7 = tpu.memref_slice %arg3[%add3A_4] : memref<1600000xi32, #tpu.memory_space<hbm>> -> memref<1000xi32, #tpu.memory_space<hbm>>
    tpu.enqueue_dma source(%dma_start3A_7 : memref<1000xi32, #tpu.memory_space<hbm>>) target(%arg6 : memref<1000xi32, #tpu.memory_space<vmem>>) target_semaphore(%arg16 : memref<!tpu.dma_semaphore, #tpu.memory_space<semaphore_mem>>)
    %add3A_8 = arith.constant 1000 : i32
    %add3A_9 = arith.addi %mul3A_2, %add3A_8 : i32
    %dma_start3A_10 = tpu.memref_slice %arg2[%add3A_9] : memref<1600000xf32, #tpu.memory_space<hbm>> -> memref<1000xf32, #tpu.memory_space<hbm>>
    %dma_start3A_11 = tpu.memref_slice %arg2[%add3A_9] : memref<1600000xf32, #tpu.memory_space<hbm>> -> memref<1000xf32, #tpu.memory_space<hbm>>
    tpu.enqueue_dma source(%dma_start3A_11 : memref<1000xf32, #tpu.memory_space<hbm>>) target(%arg7 : memref<1000xf32, #tpu.memory_space<vmem>>) target_semaphore(%arg17 : memref<!tpu.dma_semaphore, #tpu.memory_space<semaphore_mem>>)
    %dma_start3A_12 = tpu.memref_slice %arg3[%add3A_9] : memref<1600000xi32, #tpu.memory_space<hbm>> -> memref<1000xi32, #tpu.memory_space<hbm>>
    %dma_start3A_13 = tpu.memref_slice %arg3[%add3A_9] : memref<1600000xi32, #tpu.memory_space<hbm>> -> memref<1000xi32, #tpu.memory_space<hbm>>
    tpu.enqueue_dma source(%dma_start3A_13 : memref<1000xi32, #tpu.memory_space<hbm>>) target(%arg8 : memref<1000xi32, #tpu.memory_space<vmem>>) target_semaphore(%arg17 : memref<!tpu.dma_semaphore, #tpu.memory_space<semaphore_mem>>)
    %broadcast_in_dim3A = arith.constant 0.000000e+00 : f32
    %broadcast_in_dim3A_14 = vector.broadcast %broadcast_in_dim3A : f32 to vector<16xf32>
    %scan3A = arith.constant 0 : i32
    %scan3A_15 = arith.constant 3336 : i32
    %scan3A_16 = arith.addi %scan3A, %scan3A_15 : i32
    %scan3A_17 = arith.constant 1 : i32
    scf.for %scan3A_65 = %scan3A to %scan3A_16 step %scan3A_17  : i32 {
      %mul3A_66 = arith.constant 16 : i32
      %mul3A_67 = arith.muli %scan3A_65, %mul3A_66 : i32
      %add3A_68 = arith.constant 0 : i32
      %add3A_69 = arith.addi %add3A_68, %mul3A_67 : i32
      %swap3A = arith.index_cast %add3A_69 : i32 to index
      %swap3A_70 = tpu.vector_load %arg13[%swap3A] {strides = array<i32>} : memref<53376xf32, #tpu.memory_space<vmem>>, vector<16xf32>,
      tpu.vector_store %arg13[%swap3A], %broadcast_in_dim3A_14 {strides = array<i32>} : memref<53376xf32, #tpu.memory_space<vmem>>, vector<16xf32>,
      %swap3A_71 = arith.index_cast %add3A_69 : i32 to index
      %swap3A_72 = tpu.vector_load %arg14[%swap3A_71] {strides = array<i32>} : memref<53376xf32, #tpu.memory_space<vmem>>, vector<16xf32>,
      tpu.vector_store %arg14[%swap3A_71], %broadcast_in_dim3A_14 {strides = array<i32>} : memref<53376xf32, #tpu.memory_space<vmem>>, vector<16xf32>,
    }
    %scan3A_18 = arith.constant 3336 : i32
    %scan3A_19 = arith.constant 0 : i32
    %scan3A_20 = arith.constant 209 : i32
    %scan3A_21 = arith.addi %scan3A_19, %scan3A_20 : i32
    %scan3A_22 = arith.constant 1 : i32
    scf.for %scan3A_65 = %scan3A_19 to %scan3A_21 step %scan3A_22  : i32 {
      %mul3A_66 = arith.constant 16 : i32
      %mul3A_67 = arith.muli %scan3A_65, %mul3A_66 : i32
      %add3A_68 = arith.constant 0 : i32
      %add3A_69 = arith.addi %add3A_68, %mul3A_67 : i32
      %swap3A = arith.index_cast %add3A_69 : i32 to index
      %swap3A_70 = tpu.vector_load %arg9[%swap3A] {strides = array<i32>} : memref<3336xf32, #tpu.memory_space<vmem>>, vector<16xf32>,
      tpu.vector_store %arg9[%swap3A], %broadcast_in_dim3A_14 {strides = array<i32>} : memref<3336xf32, #tpu.memory_space<vmem>>, vector<16xf32>,
    }
    %scan3A_23 = arith.constant 209 : i32
    %mul3A_24 = arith.constant 3336 : i32
    %mul3A_25 = arith.muli %arg1, %mul3A_24 : i32
    "tpu.region"() ({
      %run_scoped3A = tpu.sem_alloc : memref<!tpu.dma_semaphore, #tpu.memory_space<semaphore_mem>>
      %dma_start3A_65 = arith.constant 0 : i32
      %dma_start3A_66 = tpu.memref_slice %arg9[%dma_start3A_65] : memref<3336xf32, #tpu.memory_space<vmem>> -> memref<3336xf32, #tpu.memory_space<vmem>>
      %dma_start3A_67 = tpu.memref_slice %arg15[%mul3A_25] : memref<53376xf32, #tpu.memory_space<vmem_shared>> -> memref<3336xf32, #tpu.memory_space<vmem_shared>>
      %dma_start3A_68 = tpu.memref_slice %arg15[%mul3A_25] : memref<53376xf32, #tpu.memory_space<vmem_shared>> -> memref<3336xf32, #tpu.memory_space<vmem_shared>>
      %dma_start3A_69 = arith.constant 0 : i32
      %dma_start3A_70 = tpu.memref_slice %arg9[%dma_start3A_69] : memref<3336xf32, #tpu.memory_space<vmem>> -> memref<3336xf32, #tpu.memory_space<vmem>>
      tpu.enqueue_dma source(%dma_start3A_70 : memref<3336xf32, #tpu.memory_space<vmem>>) target(%dma_start3A_68 : memref<3336xf32, #tpu.memory_space<vmem_shared>>) target_semaphore(%run_scoped3A : memref<!tpu.dma_semaphore, #tpu.memory_space<semaphore_mem>>)
      %dma_wait3A = arith.constant 0 : i32
      %dma_wait3A_71 = tpu.memref_slice %arg9[%dma_wait3A] : memref<3336xf32, #tpu.memory_space<vmem>> -> memref<3336xf32, #tpu.memory_space<vmem>>
      %dma_wait3A_72 = tpu.memref_slice %arg15[%mul3A_25] : memref<53376xf32, #tpu.memory_space<vmem_shared>> -> memref<3336xf32, #tpu.memory_space<vmem_shared>>
      %dma_wait3A_73 = tpu.memref_slice %arg15[%mul3A_25] : memref<53376xf32, #tpu.memory_space<vmem_shared>> -> memref<3336xf32, #tpu.memory_space<vmem_shared>>
      %dma_wait3A_74 = arith.constant 0 : i32
      %dma_wait3A_75 = tpu.memref_slice %arg9[%dma_wait3A_74] : memref<3336xf32, #tpu.memory_space<vmem>> -> memref<3336xf32, #tpu.memory_space<vmem>>
      tpu.wait_dma2 semaphore(%run_scoped3A : memref<!tpu.dma_semaphore, #tpu.memory_space<semaphore_mem>>) src(%dma_wait3A_75 : memref<3336xf32, #tpu.memory_space<vmem>>) dst(%dma_wait3A_73 : memref<3336xf32, #tpu.memory_space<vmem_shared>>)
      tpu.yield
    }) : () -> ()
    %barrier3A = arith.constant 0 : index
    tpu.barrier barrier_id(%barrier3A)
    %scan3A_26 = arith.constant 0 : i32
    %scan3A_27 = arith.constant 25 : i32
    %scan3A_28 = arith.addi %scan3A_26, %scan3A_27 : i32
    %scan3A_29 = arith.constant 1 : i32
    scf.for %scan3A_65 = %scan3A_26 to %scan3A_28 step %scan3A_29  : i32 {
      %mul3A_66 = arith.constant 2 : i32
      %mul3A_67 = arith.muli %scan3A_65, %mul3A_66 : i32
      %add3A_68 = arith.constant 0 : i32
      %add3A_69 = arith.addi %add3A_68, %mul3A_67 : i32
      %dma_wait3A = tpu.memref_slice %arg2[%mul3A_2] : memref<1600000xf32, #tpu.memory_space<hbm>> -> memref<1000xf32, #tpu.memory_space<hbm>>
      %dma_wait3A_70 = tpu.memref_slice %arg2[%mul3A_2] : memref<1600000xf32, #tpu.memory_space<hbm>> -> memref<1000xf32, #tpu.memory_space<hbm>>
      tpu.wait_dma2 semaphore(%arg16 : memref<!tpu.dma_semaphore, #tpu.memory_space<semaphore_mem>>) src(%dma_wait3A_70 : memref<1000xf32, #tpu.memory_space<hbm>>) dst(%arg5 : memref<1000xf32, #tpu.memory_space<vmem>>)
      %dma_wait3A_71 = tpu.memref_slice %arg3[%mul3A_2] : memref<1600000xi32, #tpu.memory_space<hbm>> -> memref<1000xi32, #tpu.memory_space<hbm>>
      %dma_wait3A_72 = tpu.memref_slice %arg3[%mul3A_2] : memref<1600000xi32, #tpu.memory_space<hbm>> -> memref<1000xi32, #tpu.memory_space<hbm>>
      tpu.wait_dma2 semaphore(%arg16 : memref<!tpu.dma_semaphore, #tpu.memory_space<semaphore_mem>>) src(%dma_wait3A_72 : memref<1000xi32, #tpu.memory_space<hbm>>) dst(%arg6 : memref<1000xi32, #tpu.memory_space<vmem>>)
      %add3A_73 = arith.constant 2 : i32
      %add3A_74 = arith.addi %add3A_69, %add3A_73 : i32
      %lt3A = arith.constant 50 : i32
      %lt3A_75 = arith.cmpi slt, %add3A_74, %lt3A : i32
      %convert_element_type3A = arith.extui %lt3A_75 : i1 to i32
      %cond3A = arith.constant 0 : i32
      %cond3A_76 = arith.cmpi ne, %convert_element_type3A, %cond3A : i32
      scf.if %cond3A_76 {
        %add3A_98 = arith.constant 2 : i32
        %add3A_99 = arith.addi %add3A_69, %add3A_98 : i32
        %mul3A_100 = arith.constant 1000 : i32
        %mul3A_101 = arith.muli %add3A_99, %mul3A_100 : i32
        %add3A_102 = arith.addi %mul3A_2, %mul3A_101 : i32
        %dma_start3A_103 = tpu.memref_slice %arg2[%add3A_102] : memref<1600000xf32, #tpu.memory_space<hbm>> -> memref<1000xf32, #tpu.memory_space<hbm>>
        %dma_start3A_104 = tpu.memref_slice %arg2[%add3A_102] : memref<1600000xf32, #tpu.memory_space<hbm>> -> memref<1000xf32, #tpu.memory_space<hbm>>
        tpu.enqueue_dma source(%dma_start3A_104 : memref<1000xf32, #tpu.memory_space<hbm>>) target(%arg5 : memref<1000xf32, #tpu.memory_space<vmem>>) target_semaphore(%arg16 : memref<!tpu.dma_semaphore, #tpu.memory_space<semaphore_mem>>)
        %dma_start3A_105 = tpu.memref_slice %arg3[%add3A_102] : memref<1600000xi32, #tpu.memory_space<hbm>> -> memref<1000xi32, #tpu.memory_space<hbm>>
        %dma_start3A_106 = tpu.memref_slice %arg3[%add3A_102] : memref<1600000xi32, #tpu.memory_space<hbm>> -> memref<1000xi32, #tpu.memory_space<hbm>>
        tpu.enqueue_dma source(%dma_start3A_106 : memref<1000xi32, #tpu.memory_space<hbm>>) target(%arg6 : memref<1000xi32, #tpu.memory_space<vmem>>) target_semaphore(%arg16 : memref<!tpu.dma_semaphore, #tpu.memory_space<semaphore_mem>>)
      } else {
      }
      %scan3A_77 = arith.constant 0 : i32
      %scan3A_78 = arith.constant 63 : i32
      %scan3A_79 = arith.addi %scan3A_77, %scan3A_78 : i32
      %scan3A_80 = arith.constant 1 : i32
      scf.for %scan3A_98 = %scan3A_77 to %scan3A_79 step %scan3A_80  : i32 {
        %mul3A_99 = arith.constant 16 : i32
        %mul3A_100 = arith.muli %scan3A_98, %mul3A_99 : i32
        %add3A_101 = arith.constant 0 : i32
        %add3A_102 = arith.addi %add3A_101, %mul3A_100 : i32
        %get3A_103 = arith.index_cast %add3A_102 : i32 to index
        %get3A_104 = tpu.vector_load %arg5[%get3A_103] {strides = array<i32>} : memref<1000xf32, #tpu.memory_space<vmem>>, vector<16xf32>,
        %get3A_105 = arith.index_cast %add3A_102 : i32 to index
        %get3A_106 = tpu.vector_load %arg6[%get3A_105] {strides = array<i32>} : memref<1000xi32, #tpu.memory_space<vmem>>, vector<16xi32>,
        %broadcast_in_dim3A_107 = arith.constant true
        %broadcast_in_dim3A_108 = vector.broadcast %broadcast_in_dim3A_107 : i1 to vector<16xi1>
        %masked_cumsum3A = tpu.scan <sum>, %get3A_104 masked %broadcast_in_dim3A_108 : vector<16xf32>, vector<16xi1> -> vector<16xf32>
        %broadcast_in_dim3A_109 = arith.constant true
        %broadcast_in_dim3A_110 = vector.broadcast %broadcast_in_dim3A_109 : i1 to vector<16xi1>
        %unique3A, %unique3A_111 = tpu.scan_count mask(%broadcast_in_dim3A_110 : vector<16xi1>) value(%get3A_106 : vector<16xi32>) : vector<16xi1>, vector<16xi32>
        %eq3A = arith.constant 0 : i32
        %eq3A_112 = vector.broadcast %eq3A : i32 to vector<16xi32>
        %eq3A_113 = arith.cmpi eq, %unique3A_111, %eq3A_112 : vector<16xi32>
        tpu.vector_store_idx %arg13[%get3A_106], %masked_cumsum3A masked %unique3A {add = true} : memref<53376xf32, #tpu.memory_space<vmem>>[vector<16xi32>], vector<16xf32>, vector<16xi1>
        %sub3A_114 = arith.subf %get3A_104, %masked_cumsum3A : vector<16xf32>
        tpu.vector_store_idx %arg14[%get3A_106], %sub3A_114 masked %eq3A_113 {add = true} : memref<53376xf32, #tpu.memory_space<vmem>>[vector<16xi32>], vector<16xf32>, vector<16xi1>
      }
      %scan3A_81 = arith.constant 63 : i32
      %dma_wait3A_82 = tpu.memref_slice %arg2[%mul3A_2] : memref<1600000xf32, #tpu.memory_space<hbm>> -> memref<1000xf32, #tpu.memory_space<hbm>>
      %dma_wait3A_83 = tpu.memref_slice %arg2[%mul3A_2] : memref<1600000xf32, #tpu.memory_space<hbm>> -> memref<1000xf32, #tpu.memory_space<hbm>>
      tpu.wait_dma2 semaphore(%arg17 : memref<!tpu.dma_semaphore, #tpu.memory_space<semaphore_mem>>) src(%dma_wait3A_83 : memref<1000xf32, #tpu.memory_space<hbm>>) dst(%arg7 : memref<1000xf32, #tpu.memory_space<vmem>>)
      %dma_wait3A_84 = tpu.memref_slice %arg3[%mul3A_2] : memref<1600000xi32, #tpu.memory_space<hbm>> -> memref<1000xi32, #tpu.memory_space<hbm>>
      %dma_wait3A_85 = tpu.memref_slice %arg3[%mul3A_2] : memref<1600000xi32, #tpu.memory_space<hbm>> -> memref<1000xi32, #tpu.memory_space<hbm>>
      tpu.wait_dma2 semaphore(%arg17 : memref<!tpu.dma_semaphore, #tpu.memory_space<semaphore_mem>>) src(%dma_wait3A_85 : memref<1000xi32, #tpu.memory_space<hbm>>) dst(%arg8 : memref<1000xi32, #tpu.memory_space<vmem>>)
      %add3A_86 = arith.constant 3 : i32
      %add3A_87 = arith.addi %add3A_69, %add3A_86 : i32
      %lt3A_88 = arith.constant 50 : i32
      %lt3A_89 = arith.cmpi slt, %add3A_87, %lt3A_88 : i32
      %convert_element_type3A_90 = arith.extui %lt3A_89 : i1 to i32
      %cond3A_91 = arith.constant 0 : i32
      %cond3A_92 = arith.cmpi ne, %convert_element_type3A_90, %cond3A_91 : i32
      scf.if %cond3A_92 {
        %add3A_98 = arith.constant 3 : i32
        %add3A_99 = arith.addi %add3A_69, %add3A_98 : i32
        %mul3A_100 = arith.constant 1000 : i32
        %mul3A_101 = arith.muli %add3A_99, %mul3A_100 : i32
        %add3A_102 = arith.addi %mul3A_2, %mul3A_101 : i32
        %dma_start3A_103 = tpu.memref_slice %arg2[%add3A_102] : memref<1600000xf32, #tpu.memory_space<hbm>> -> memref<1000xf32, #tpu.memory_space<hbm>>
        %dma_start3A_104 = tpu.memref_slice %arg2[%add3A_102] : memref<1600000xf32, #tpu.memory_space<hbm>> -> memref<1000xf32, #tpu.memory_space<hbm>>
        tpu.enqueue_dma source(%dma_start3A_104 : memref<1000xf32, #tpu.memory_space<hbm>>) target(%arg7 : memref<1000xf32, #tpu.memory_space<vmem>>) target_semaphore(%arg17 : memref<!tpu.dma_semaphore, #tpu.memory_space<semaphore_mem>>)
        %dma_start3A_105 = tpu.memref_slice %arg3[%add3A_102] : memref<1600000xi32, #tpu.memory_space<hbm>> -> memref<1000xi32, #tpu.memory_space<hbm>>
        %dma_start3A_106 = tpu.memref_slice %arg3[%add3A_102] : memref<1600000xi32, #tpu.memory_space<hbm>> -> memref<1000xi32, #tpu.memory_space<hbm>>
        tpu.enqueue_dma source(%dma_start3A_106 : memref<1000xi32, #tpu.memory_space<hbm>>) target(%arg8 : memref<1000xi32, #tpu.memory_space<vmem>>) target_semaphore(%arg17 : memref<!tpu.dma_semaphore, #tpu.memory_space<semaphore_mem>>)
      } else {
      }
      %scan3A_93 = arith.constant 0 : i32
      %scan3A_94 = arith.constant 63 : i32
      %scan3A_95 = arith.addi %scan3A_93, %scan3A_94 : i32
      %scan3A_96 = arith.constant 1 : i32
      scf.for %scan3A_98 = %scan3A_93 to %scan3A_95 step %scan3A_96  : i32 {
        %mul3A_99 = arith.constant 16 : i32
        %mul3A_100 = arith.muli %scan3A_98, %mul3A_99 : i32
        %add3A_101 = arith.constant 0 : i32
        %add3A_102 = arith.addi %add3A_101, %mul3A_100 : i32
        %get3A_103 = arith.index_cast %add3A_102 : i32 to index
        %get3A_104 = tpu.vector_load %arg7[%get3A_103] {strides = array<i32>} : memref<1000xf32, #tpu.memory_space<vmem>>, vector<16xf32>,
        %get3A_105 = arith.index_cast %add3A_102 : i32 to index
        %get3A_106 = tpu.vector_load %arg8[%get3A_105] {strides = array<i32>} : memref<1000xi32, #tpu.memory_space<vmem>>, vector<16xi32>,
        %broadcast_in_dim3A_107 = arith.constant true
        %broadcast_in_dim3A_108 = vector.broadcast %broadcast_in_dim3A_107 : i1 to vector<16xi1>
        %masked_cumsum3A = tpu.scan <sum>, %get3A_104 masked %broadcast_in_dim3A_108 : vector<16xf32>, vector<16xi1> -> vector<16xf32>
        %broadcast_in_dim3A_109 = arith.constant true
        %broadcast_in_dim3A_110 = vector.broadcast %broadcast_in_dim3A_109 : i1 to vector<16xi1>
        %unique3A, %unique3A_111 = tpu.scan_count mask(%broadcast_in_dim3A_110 : vector<16xi1>) value(%get3A_106 : vector<16xi32>) : vector<16xi1>, vector<16xi32>
        %eq3A = arith.constant 0 : i32
        %eq3A_112 = vector.broadcast %eq3A : i32 to vector<16xi32>
        %eq3A_113 = arith.cmpi eq, %unique3A_111, %eq3A_112 : vector<16xi32>
        tpu.vector_store_idx %arg13[%get3A_106], %masked_cumsum3A masked %unique3A {add = true} : memref<53376xf32, #tpu.memory_space<vmem>>[vector<16xi32>], vector<16xf32>, vector<16xi1>
        %sub3A_114 = arith.subf %get3A_104, %masked_cumsum3A : vector<16xf32>
        tpu.vector_store_idx %arg14[%get3A_106], %sub3A_114 masked %eq3A_113 {add = true} : memref<53376xf32, #tpu.memory_space<vmem>>[vector<16xi32>], vector<16xf32>, vector<16xi1>
      }
      %scan3A_97 = arith.constant 63 : i32
    }
    %scan3A_30 = arith.constant 25 : i32
    "tpu.region"() ({
      %run_scoped3A = tpu.sem_alloc : memref<!tpu.dma_semaphore, #tpu.memory_space<semaphore_mem>>
      %dma_start3A_65 = tpu.memref_slice %arg3[%mul3A_2] : memref<1600000xi32, #tpu.memory_space<hbm>> -> memref<16xi32, #tpu.memory_space<hbm>>
      %dma_start3A_66 = tpu.memref_slice %arg3[%mul3A_2] : memref<1600000xi32, #tpu.memory_space<hbm>> -> memref<16xi32, #tpu.memory_space<hbm>>
      tpu.enqueue_dma source(%dma_start3A_66 : memref<16xi32, #tpu.memory_space<hbm>>) target(%arg12 : memref<16xi32, #tpu.memory_space<vmem>>) target_semaphore(%run_scoped3A : memref<!tpu.dma_semaphore, #tpu.memory_space<semaphore_mem>>)
      %dma_wait3A = tpu.memref_slice %arg3[%mul3A_2] : memref<1600000xi32, #tpu.memory_space<hbm>> -> memref<16xi32, #tpu.memory_space<hbm>>
      %dma_wait3A_67 = tpu.memref_slice %arg3[%mul3A_2] : memref<1600000xi32, #tpu.memory_space<hbm>> -> memref<16xi32, #tpu.memory_space<hbm>>
      tpu.wait_dma2 semaphore(%run_scoped3A : memref<!tpu.dma_semaphore, #tpu.memory_space<semaphore_mem>>) src(%dma_wait3A_67 : memref<16xi32, #tpu.memory_space<hbm>>) dst(%arg12 : memref<16xi32, #tpu.memory_space<vmem>>)
      tpu.yield
    }) : () -> ()
    %get3A = arith.constant 0 : index
    %get3A_31 = tpu.vector_load %arg12[%get3A] {strides = array<i32>} : memref<16xi32, #tpu.memory_space<vmem>>, vector<16xi32>,
    %reduce_min3A = arith.constant true
    %reduce_min3A_32 = vector.broadcast %reduce_min3A : i1 to vector<16xi1>
    %reduce_min3A_33 = arith.constant -2147483648 : i32
    %reduce_min3A_34 = vector.broadcast %reduce_min3A_33 : i32 to vector<16xi32>
    %reduce_min3A_35 = arith.xori %get3A_31, %reduce_min3A_34 : vector<16xi32>
    %reduce_min3A_36 = tpu.scan <min>, %reduce_min3A_35 masked %reduce_min3A_32 : vector<16xi32>, vector<16xi1> -> vector<16xi32>
    %reduce_min3A_37 = arith.xori %reduce_min3A_36, %reduce_min3A_34 : vector<16xi32>
    %reduce_min3A_38 = vector.extract %reduce_min3A_37[15] : i32 from vector<16xi32>
    %add3A_39 = arith.constant 50000 : i32
    %add3A_40 = arith.addi %mul3A_2, %add3A_39 : i32
    %sub3A = arith.constant 16 : i32
    %sub3A_41 = arith.subi %add3A_40, %sub3A : i32
    "tpu.region"() ({
      %run_scoped3A = tpu.sem_alloc : memref<!tpu.dma_semaphore, #tpu.memory_space<semaphore_mem>>
      %dma_start3A_65 = tpu.memref_slice %arg3[%sub3A_41] : memref<1600000xi32, #tpu.memory_space<hbm>> -> memref<16xi32, #tpu.memory_space<hbm>>
      %dma_start3A_66 = tpu.memref_slice %arg3[%sub3A_41] : memref<1600000xi32, #tpu.memory_space<hbm>> -> memref<16xi32, #tpu.memory_space<hbm>>
      tpu.enqueue_dma source(%dma_start3A_66 : memref<16xi32, #tpu.memory_space<hbm>>) target(%arg12 : memref<16xi32, #tpu.memory_space<vmem>>) target_semaphore(%run_scoped3A : memref<!tpu.dma_semaphore, #tpu.memory_space<semaphore_mem>>)
      %dma_wait3A = tpu.memref_slice %arg3[%sub3A_41] : memref<1600000xi32, #tpu.memory_space<hbm>> -> memref<16xi32, #tpu.memory_space<hbm>>
      %dma_wait3A_67 = tpu.memref_slice %arg3[%sub3A_41] : memref<1600000xi32, #tpu.memory_space<hbm>> -> memref<16xi32, #tpu.memory_space<hbm>>
      tpu.wait_dma2 semaphore(%run_scoped3A : memref<!tpu.dma_semaphore, #tpu.memory_space<semaphore_mem>>) src(%dma_wait3A_67 : memref<16xi32, #tpu.memory_space<hbm>>) dst(%arg12 : memref<16xi32, #tpu.memory_space<vmem>>)
      tpu.yield
    }) : () -> ()
    %get3A_42 = arith.constant 0 : index
    %get3A_43 = tpu.vector_load %arg12[%get3A_42] {strides = array<i32>} : memref<16xi32, #tpu.memory_space<vmem>>, vector<16xi32>,
    %reduce_max3A = arith.constant true
    %reduce_max3A_44 = vector.broadcast %reduce_max3A : i1 to vector<16xi1>
    %reduce_max3A_45 = arith.constant -2147483648 : i32
    %reduce_max3A_46 = vector.broadcast %reduce_max3A_45 : i32 to vector<16xi32>
    %reduce_max3A_47 = arith.xori %get3A_43, %reduce_max3A_46 : vector<16xi32>
    %reduce_max3A_48 = tpu.scan <max>, %reduce_max3A_47 masked %reduce_max3A_44 : vector<16xi32>, vector<16xi1> -> vector<16xi32>
    %reduce_max3A_49 = arith.xori %reduce_max3A_48, %reduce_max3A_46 : vector<16xi32>
    %reduce_max3A_50 = vector.extract %reduce_max3A_49[15] : i32 from vector<16xi32>
    %div3A = arith.constant 3136 : i32
    %div3A_51 = arith.divsi %reduce_min3A_38, %div3A : i32
    %scan3A_52 = arith.constant 0 : i32
    %scan3A_53 = arith.constant 17 : i32
    %scan3A_54 = arith.addi %scan3A_52, %scan3A_53 : i32
    %scan3A_55 = arith.constant 1 : i32
    scf.for %scan3A_65 = %scan3A_52 to %scan3A_54 step %scan3A_55  : i32 {
      %mul3A_66 = arith.constant 1 : i32
      %mul3A_67 = arith.muli %scan3A_65, %mul3A_66 : i32
      %add3A_68 = arith.constant 0 : i32
      %add3A_69 = arith.addi %add3A_68, %mul3A_67 : i32
      %add3A_70 = arith.addi %div3A_51, %add3A_69 : i32
      %mul3A_71 = arith.constant 3136 : i32
      %mul3A_72 = arith.muli %add3A_70, %mul3A_71 : i32
      %multiple_of3A = tpu.assume_multiple %mul3A_72, 3136 : i32
      %le3A = arith.cmpi sle, %multiple_of3A, %reduce_max3A_50 : i32
      %convert_element_type3A = arith.extui %le3A : i1 to i32
      %cond3A = arith.constant 0 : i32
      %cond3A_73 = arith.cmpi ne, %convert_element_type3A, %cond3A : i32
      scf.if %cond3A_73 {
        %scan3A_74 = arith.constant 0 : i32
        %scan3A_75 = arith.constant 196 : i32
        %scan3A_76 = arith.addi %scan3A_74, %scan3A_75 : i32
        %scan3A_77 = arith.constant 1 : i32
        scf.for %scan3A_79 = %scan3A_74 to %scan3A_76 step %scan3A_77  : i32 {
          %mul3A_80 = arith.constant 16 : i32
          %mul3A_81 = arith.muli %scan3A_79, %mul3A_80 : i32
          %add3A_82 = arith.constant 0 : i32
          %add3A_83 = arith.addi %add3A_82, %mul3A_81 : i32
          %add3A_84 = arith.addi %multiple_of3A, %add3A_83 : i32
          %multiple_of3A_85 = tpu.assume_multiple %add3A_84, 8 : i32
          %iota3A = tpu.iota {dimensions = array<i32: 0>} : vector<16xi32>
          %add3A_86 = arith.addi %multiple_of3A, %add3A_83 : i32
          %add3A_87 = vector.broadcast %add3A_86 : i32 to vector<16xi32>
          %add3A_88 = arith.addi %iota3A, %add3A_87 : vector<16xi32>
          %swap3A = arith.index_cast %add3A_83 : i32 to index
          %swap3A_89 = tpu.vector_load %arg10[%swap3A] {strides = array<i32>} : memref<3136xi32, #tpu.memory_space<vmem>>, vector<16xi32>,
          tpu.vector_store %arg10[%swap3A], %add3A_88 {strides = array<i32>} : memref<3136xi32, #tpu.memory_space<vmem>>, vector<16xi32>,
          %get3A_90 = arith.index_cast %multiple_of3A_85 : i32 to index
          %get3A_91 = tpu.vector_load %arg13[%get3A_90] {strides = array<i32>} : memref<53376xf32, #tpu.memory_space<vmem>>, vector<16xf32>,
          %get3A_92 = arith.index_cast %multiple_of3A_85 : i32 to index
          %get3A_93 = tpu.vector_load %arg14[%get3A_92] {strides = array<i32>} : memref<53376xf32, #tpu.memory_space<vmem>>, vector<16xf32>,
          %add3A_94 = arith.addf %get3A_91, %get3A_93 : vector<16xf32>
          %swap3A_95 = arith.index_cast %add3A_83 : i32 to index
          %swap3A_96 = tpu.vector_load %arg11[%swap3A_95] {strides = array<i32>} : memref<3136xf32, #tpu.memory_space<vmem>>, vector<16xf32>,
          tpu.vector_store %arg11[%swap3A_95], %add3A_94 {strides = array<i32>} : memref<3136xf32, #tpu.memory_space<vmem>>, vector<16xf32>,
        }
        %scan3A_78 = arith.constant 196 : i32
        "tpu.region"() ({
          %run_scoped3A = tpu.sem_alloc : memref<!tpu.dma_semaphore, #tpu.memory_space<semaphore_mem>>
          %dma_start3A_79 = arith.constant 0 : i32
          %dma_start3A_80 = tpu.memref_slice %arg15[%dma_start3A_79] : memref<53376xf32, #tpu.memory_space<vmem_shared>> -> memref<53376xf32, #tpu.memory_space<vmem_shared>>
          tpu.enqueue_indirect_dma source(%arg11 : memref<3136xf32, #tpu.memory_space<vmem>>) target(%dma_start3A_80 : memref<53376xf32, #tpu.memory_space<vmem_shared>>) offsets(%arg10 : memref<3136xi32, #tpu.memory_space<vmem>>) semaphore(%run_scoped3A : memref<!tpu.dma_semaphore, #tpu.memory_space<semaphore_mem>>) {add = true}
          %dma_wait3A = arith.constant 0 : i32
          %dma_wait3A_81 = tpu.memref_slice %arg15[%dma_wait3A] : memref<53376xf32, #tpu.memory_space<vmem_shared>> -> memref<53376xf32, #tpu.memory_space<vmem_shared>>
          tpu.wait_indirect_dma semaphore(%run_scoped3A : memref<!tpu.dma_semaphore, #tpu.memory_space<semaphore_mem>>) src(%arg11 : memref<3136xf32, #tpu.memory_space<vmem>>) dst(%dma_wait3A_81 : memref<53376xf32, #tpu.memory_space<vmem_shared>>)
          tpu.yield
        }) : () -> ()
      } else {
      }
    }
    %scan3A_56 = arith.constant 17 : i32
    %barrier3A_57 = arith.constant 0 : index
    tpu.barrier barrier_id(%barrier3A_57)
    %mul3A_58 = arith.constant 3136 : i32
    %mul3A_59 = arith.muli %arg1, %mul3A_58 : i32
    "tpu.region"() ({
      %run_scoped3A = tpu.sem_alloc : memref<!tpu.dma_semaphore, #tpu.memory_space<semaphore_mem>>
      %dma_start3A_65 = arith.constant 0 : i32
      %dma_start3A_66 = tpu.memref_slice %arg9[%dma_start3A_65] : memref<3336xf32, #tpu.memory_space<vmem>> -> memref<3136xf32, #tpu.memory_space<vmem>>
      %dma_start3A_67 = tpu.memref_slice %arg15[%mul3A_59] : memref<53376xf32, #tpu.memory_space<vmem_shared>> -> memref<3136xf32, #tpu.memory_space<vmem_shared>>
      %dma_start3A_68 = arith.constant 0 : i32
      %dma_start3A_69 = tpu.memref_slice %arg9[%dma_start3A_68] : memref<3336xf32, #tpu.memory_space<vmem>> -> memref<3136xf32, #tpu.memory_space<vmem>>
      %dma_start3A_70 = tpu.memref_slice %arg15[%mul3A_59] : memref<53376xf32, #tpu.memory_space<vmem_shared>> -> memref<3136xf32, #tpu.memory_space<vmem_shared>>
      tpu.enqueue_dma source(%dma_start3A_70 : memref<3136xf32, #tpu.memory_space<vmem_shared>>) target(%dma_start3A_69 : memref<3136xf32, #tpu.memory_space<vmem>>) target_semaphore(%run_scoped3A : memref<!tpu.dma_semaphore, #tpu.memory_space<semaphore_mem>>)
      %dma_wait3A = arith.constant 0 : i32
      %dma_wait3A_71 = tpu.memref_slice %arg9[%dma_wait3A] : memref<3336xf32, #tpu.memory_space<vmem>> -> memref<3136xf32, #tpu.memory_space<vmem>>
      %dma_wait3A_72 = tpu.memref_slice %arg15[%mul3A_59] : memref<53376xf32, #tpu.memory_space<vmem_shared>> -> memref<3136xf32, #tpu.memory_space<vmem_shared>>
      %dma_wait3A_73 = arith.constant 0 : i32
      %dma_wait3A_74 = tpu.memref_slice %arg9[%dma_wait3A_73] : memref<3336xf32, #tpu.memory_space<vmem>> -> memref<3136xf32, #tpu.memory_space<vmem>>
      %dma_wait3A_75 = tpu.memref_slice %arg15[%mul3A_59] : memref<53376xf32, #tpu.memory_space<vmem_shared>> -> memref<3136xf32, #tpu.memory_space<vmem_shared>>
      tpu.wait_dma2 semaphore(%run_scoped3A : memref<!tpu.dma_semaphore, #tpu.memory_space<semaphore_mem>>) src(%dma_wait3A_75 : memref<3136xf32, #tpu.memory_space<vmem_shared>>) dst(%dma_wait3A_74 : memref<3136xf32, #tpu.memory_space<vmem>>)
      tpu.yield
    }) : () -> ()
    %mul3A_60 = arith.constant 50176 : i32
    %mul3A_61 = arith.muli %arg0, %mul3A_60 : i32
    %mul3A_62 = arith.constant 3136 : i32
    %mul3A_63 = arith.muli %arg1, %mul3A_62 : i32
    %add3A_64 = arith.addi %mul3A_61, %mul3A_63 : i32
    "tpu.region"() ({
      %run_scoped3A = tpu.sem_alloc : memref<!tpu.dma_semaphore, #tpu.memory_space<semaphore_mem>>
      %dma_start3A_65 = arith.constant 0 : i32
      %dma_start3A_66 = tpu.memref_slice %arg9[%dma_start3A_65] : memref<3336xf32, #tpu.memory_space<vmem>> -> memref<3136xf32, #tpu.memory_space<vmem>>
      %dma_start3A_67 = tpu.memref_slice %arg4[%add3A_64] : memref<100352xf32, #tpu.memory_space<hbm>> -> memref<3136xf32, #tpu.memory_space<hbm>>
      %dma_start3A_68 = tpu.memref_slice %arg4[%add3A_64] : memref<100352xf32, #tpu.memory_space<hbm>> -> memref<3136xf32, #tpu.memory_space<hbm>>
      %dma_start3A_69 = arith.constant 0 : i32
      %dma_start3A_70 = tpu.memref_slice %arg9[%dma_start3A_69] : memref<3336xf32, #tpu.memory_space<vmem>> -> memref<3136xf32, #tpu.memory_space<vmem>>
      tpu.enqueue_dma source(%dma_start3A_70 : memref<3136xf32, #tpu.memory_space<vmem>>) target(%dma_start3A_68 : memref<3136xf32, #tpu.memory_space<hbm>>) target_semaphore(%run_scoped3A : memref<!tpu.dma_semaphore, #tpu.memory_space<semaphore_mem>>)
      %dma_wait3A = arith.constant 0 : i32
      %dma_wait3A_71 = tpu.memref_slice %arg9[%dma_wait3A] : memref<3336xf32, #tpu.memory_space<vmem>> -> memref<3136xf32, #tpu.memory_space<vmem>>
      %dma_wait3A_72 = tpu.memref_slice %arg4[%add3A_64] : memref<100352xf32, #tpu.memory_space<hbm>> -> memref<3136xf32, #tpu.memory_space<hbm>>
      %dma_wait3A_73 = tpu.memref_slice %arg4[%add3A_64] : memref<100352xf32, #tpu.memory_space<hbm>> -> memref<3136xf32, #tpu.memory_space<hbm>>
      %dma_wait3A_74 = arith.constant 0 : i32
      %dma_wait3A_75 = tpu.memref_slice %arg9[%dma_wait3A_74] : memref<3336xf32, #tpu.memory_space<vmem>> -> memref<3136xf32, #tpu.memory_space<vmem>>
      tpu.wait_dma2 semaphore(%run_scoped3A : memref<!tpu.dma_semaphore, #tpu.memory_space<semaphore_mem>>) src(%dma_wait3A_75 : memref<3136xf32, #tpu.memory_space<vmem>>) dst(%dma_wait3A_73 : memref<3136xf32, #tpu.memory_space<hbm>>)
      tpu.yield
    }) : () -> ()
    return
  }
}

module attributes {stable_mosaic.version = 14 : i64} {
  func.func @_tc_combine_body(%arg0: memref<100352xf32, #tpu.memory_space<vmem>>, %arg1: memref<50000xf32, #tpu.memory_space<vmem>>) attributes {dimension_semantics = [], scalar_prefetch = 0 : i64, scratch_operands = 0 : i64, tpu.core_type = #tpu.core_type<tc>} {
    %get3A = arith.constant 0 : index
    %get3A_0 = vector.load %arg0[%get3A] : memref<100352xf32, #tpu.memory_space<vmem>>, vector<50000xf32>
    %get3A_1 = arith.constant 50176 : index
    %get3A_2 = vector.load %arg0[%get3A_1] : memref<100352xf32, #tpu.memory_space<vmem>>, vector<50000xf32>
    %add3A = arith.addf %get3A_0, %get3A_2 : vector<50000xf32>
    %swap3A = arith.constant 0 : index
    %swap3A_3 = vector.load %arg1[%swap3A] : memref<50000xf32, #tpu.memory_space<vmem>>, vector<50000xf32>
    tpu.vector_store %arg1[%swap3A], %add3A {strides = array<i32>} : memref<50000xf32, #tpu.memory_space<vmem>>, vector<50000xf32>,
    return
  }
}

</mosaic_0001>

<sc_bundles>
// kernel: _run.4.cloned.1.call-start
scs
__scs_entry_jumppad:
0x0: {  	(pc) =	sbr.rel $0x88, $3  }
0x1: {  	(tag) =	ssettag $0x0;
	lr =	simm.s32 $0x1  }
0x2: {  	[smem:$0x3F9F] =	sst lr;
	_ =	strace $0xD0000000  }
0x3: {  	_ = 	snop  }
0x4: {  	_ = 	snop  }
0x5: {  	_ = 	snop  }
0x6: {  	_ = 	snop  }
0x7: {  	_ = 	snop  }
__scs_overlays_trampoline_lowered:
0x8: {  	[smem:$0x3FAE] =	sst s0  }
0x9: {  	[smem:$0x3FAF] =	sst s1  }
0xa: {  	[smem:$0x3FB0] =	sst s2  }
0xb: {  	[smem:$0x3FB1] =	sst s3  }
0xc: {  	[smem:$0x3FB2] =	sst s4  }
0xd: {  	[smem:$0x3FB3] =	sst s5  }
0xe: {  	[smem:$0x3FB4] =	sst s6  }
0xf: {  	[smem:$0x3FB5] =	sst s7  }
0x10: {  	[smem:$0x3FB6] =	sst s8  }
0x11: {  	[smem:$0x3FB7] =	sst s9;
	s0 =	simm.s32 @!p0 $0x0  }
0x12: {  	s1 =	sld [smem:$0x3F9D];
	s0 =	simm.s32 @p0 $0x1  }
0x13: {  	[smem:$0x3FB8] =	sst s0;
	s0 =	simm.s32 @!p1 $0x0  }
0x14: {  	s2 =	sld [smem:$0x3F9C];
	s0 =	simm.s32 @p1 $0x1  }
0x15: {  	[smem:$0x3FB9] =	sst s0;
	s0 =	simm.s32 @!p2 $0x0  }
0x16: {  	s3 =	sld [smem:$0x3FDB];
	s0 =	simm.s32 @p2 $0x1  }
0x17: {  	s4 =	simm.s32 $0x1BF5;
	[smem:$0x3FBB] =	sst s0  }
0x18: {  	s0 =	sld [smem:$0x3F9E];
	_ =	swait.ge [sflag:s4], $0x0  }
0x19: {  	s7 =	sld [smem:$0x3F9F]  }
0x1a: {  	s8 =	sadd.s32 $0xFFFFE003, lr  }
0x1b: {  	s9 =	sadd.s32 $0xFFFFFEF7, lr;
	s5 =	simm.s32 $0xFFFFFFFF;
	p2 =	slt.u32 s8, $0xFFFFF086  }
0x1c: {  	p1 =	slt.u32 s9, $0xF7A;
	s5 =	simm.s32 @!p2 $0x0  }
0x1d: {  	s5 =	simm.s32 @p1 $0x1;
	p0 =	seq.s32 s7, s2  }
0x1e: {  	s7 =	smul.u32 @!p0 $0xF7A, s2;
	p2 =	seq.s32 @!p0 s5, $0x0  }
0x1f: {  	s9 =	smul.u32 $0xF7A, s1;
	s8 =	simm.s32 @!p0 $0x1BF5;
	p2 =	por !p2, p0  }
0x20: {  	[sflag:s8] =	ssyncset.s32 @!p0 $0xFFFFF086;
	s6 =	sadd.s32 @!p0 s3, s7;
	s7 =	simm.s32 @!p0 $0x108  }
0x21: {  	s3 =	sadd.s32 s3, s9;
	s6 =	sadd.s32 @!p0 $0x88, s6;
	s7 =	simm.s32 @p2 $0x1082  }
0x22: {  	[simem:s7], [sflag:s8] =	dma.local @!p0 [hbm:s6], $0xF7A  }
0x23: {  	s9 =	sor.u32 $0xD0000000, s2;
	s6 =	simm.s32 $0x108;
	_ =	swait.ge @!p0 [sflag:s8], $0x0  }
0x24: {  	s3 =	sadd.s32 $0x88, s3;
	s6 =	simm.s32 @!p1 $0x1082;
	[sflag:s4] =	ssyncset.s32 $0xFFFFF086  }
0x25: {  	[simem:s6], [sflag:s4] =	dma.local [hbm:s3], $0xF7A  }
0x26: {  	[smem:$0x3F9F] =	sst s1;
	(tag) =	ssettag s2;
	_ =	strace s9  }
0x27: {  	s1 =	sld [smem:$0x3FAF]  }
0x28: {  	s2 =	sld [smem:$0x3FB0]  }
0x29: {  	s4 =	sld [smem:$0x3FB2]  }
0x2a: {  	p0 =	seq.s32 s5, $0x0;
	s5 =	sld [smem:$0x3FB3]  }
0x2b: {  	s6 =	sld [smem:$0x3FB4]  }
0x2c: {  	s7 =	sld [smem:$0x3FB5]  }
0x2d: {  	s3 =	simm.s32 $0x108;
	s8 =	sld [smem:$0x3FB6]  }
0x2e: {  	s3 =	simm.s32 @!p0 $0x1082;
	s9 =	sld [smem:$0x3FB7]  }
0x2f: {  	lr =	sadd.s32 s0, s3;
	s0 =	sld [smem:$0x3FAE]  }
0x30: {  	s3 =	sld [smem:$0x3FB1]  }
0x31: {  	[smem:$0x3FBA] =	sst s10  }
0x32: {  	s10 =	sld [smem:$0x3FB8];
	_ =	sdelay $0x3  }
0x33: {  	p0 =	seq.s32 s10, $0x1;
	s10 =	sld [smem:$0x3FBA];
	_ =	sdelay $0x3  }
0x34: {  	[smem:$0x3FBA] =	sst s10  }
0x35: {  	s10 =	sld [smem:$0x3FB9];
	_ =	sdelay $0x3  }
0x36: {  	p1 =	seq.s32 s10, $0x1;
	s10 =	sld [smem:$0x3FBA];
	_ =	sdelay $0x3  }
0x37: {  	[smem:$0x3FBA] =	sst s10  }
0x38: {  	s10 =	sld [smem:$0x3FBB]  }
0x39: {  	_ = 	snop;
	(pc) =	sbr.ind lr, $3  }
0x3a: {  	_ = 	snop  }
0x3b: {  	_ = 	snop  }
0x3c: {  	p2 =	seq.s32 s10, $0x1;
	s10 =	sld [smem:$0x3FBA]  }
0x3d: {  	_ =	shalt  }
0x3e: {  	_ =	shalt  }
0x3f: {  	_ =	shalt  }
0x40: {  	_ =	shalt  }
0x41: {  	_ =	shalt  }
0x42: {  	_ =	shalt  }
0x43: {  	_ =	shalt  }
0x44: {  	_ =	shalt  }
0x45: {  	_ =	shalt  }
0x46: {  	_ =	shalt  }
0x47: {  	_ =	shalt  }
0x48: {  	_ =	shalt  }
0x49: {  	_ =	shalt  }
0x4a: {  	_ =	shalt  }
0x4b: {  	_ =	shalt  }
0x4c: {  	_ =	shalt  }
0x4d: {  	_ =	shalt  }
0x4e: {  	_ =	shalt  }
0x4f: {  	_ =	shalt  }
0x50: {  	_ =	shalt  }
0x51: {  	_ =	shalt  }
0x52: {  	_ =	shalt  }
0x53: {  	_ =	shalt  }
0x54: {  	_ =	shalt  }
0x55: {  	_ =	shalt  }
0x56: {  	_ =	shalt  }
0x57: {  	_ =	shalt  }
0x58: {  	_ =	shalt  }
0x59: {  	_ =	shalt  }
0x5a: {  	_ =	shalt  }
0x5b: {  	_ =	shalt  }
0x5c: {  	_ =	shalt  }
0x5d: {  	_ =	shalt  }
0x5e: {  	_ =	shalt  }
0x5f: {  	_ =	shalt  }
0x60: {  	_ =	shalt  }
0x61: {  	_ =	shalt  }
0x62: {  	_ =	shalt  }
0x63: {  	_ =	shalt  }
0x64: {  	_ =	shalt  }
0x65: {  	_ =	shalt  }
0x66: {  	_ =	shalt  }
0x67: {  	_ =	shalt  }
0x68: {  	_ =	shalt  }
0x69: {  	_ =	shalt  }
0x6a: {  	_ =	shalt  }
0x6b: {  	_ =	shalt  }
0x6c: {  	_ =	shalt  }
0x6d: {  	_ =	shalt  }
0x6e: {  	_ =	shalt  }
0x6f: {  	_ =	shalt  }
0x70: {  	_ =	shalt  }
0x71: {  	_ =	shalt  }
0x72: {  	_ =	shalt  }
0x73: {  	_ =	shalt  }
0x74: {  	_ =	shalt  }
0x75: {  	_ =	shalt  }
0x76: {  	_ =	shalt  }
0x77: {  	_ =	shalt  }
0x78: {  	_ =	shalt  }
0x79: {  	_ =	shalt  }
0x7a: {  	_ =	shalt  }
0x7b: {  	_ =	shalt  }
0x7c: {  	_ =	shalt  }
0x7d: {  	_ =	shalt  }
0x7e: {  	_ =	shalt  }
0x7f: {  	_ =	shalt  }
0x80: {  	_ =	shalt  }
0x81: {  	_ =	shalt  }
0x82: {  	_ =	shalt  }
0x83: {  	_ =	shalt  }
0x84: {  	_ =	shalt  }
0x85: {  	_ =	shalt  }
0x86: {  	_ =	shalt  }
0x87: {  	_ =	shalt  }
.Lfunc_end0:
.L_simem_size_0:
called_computation_lowered:
.L_overlay_start_0:
0x88: {  	s2 =	sld [smem:$0x3FD9]  }
0x89: {  	s3 =	sld [smem:$0x3FFE];
	_ =	sdelay $0x1  }
0x8a: {  	s1 =	srdreg.scid  }
0x8b: {  	s0 =	sand.u32 $0x1, s1  }
0x8c: {  	s17 =	sshll.u32 s0, $0xA;
	s2 =	sadd.s32 s3, s2  }
0x8d: {  	s2 =	sadd.s32 s2, s17  }
0x8e: {  	[smem:$0x3FC6] =	sst s2  }
0x8f: {  	_ = 	snop  }
0x90: {  	s2 =	sld [smem:$0x3FC9]  }
0x91: {  	s18 =	sld [smem:$0x3FC8];
	(tm) =	ssettm $0x1  }
0x92: {  	s4 =	sld [smem:$0x3FFB];
	_ =	sdelay $0x3  }
0x93: {  	_ =	strace s4  }
0x94: {  	s4 =	sld [smem:$0x3FFC];
	_ =	sdelay $0x3  }
0x95: {  	_ =	strace s4  }
0x96: {  	s4 =	sld [smem:$0x3FFD];
	_ =	sdelay $0x3  }
0x97: {  	_ =	strace s4  }
0x98: {  	_ =	strace $0x8FFFFFFF  }
0x99: {  	s19 =	sld [smem:$0x3FDB];
	_ =	sdelay $0x1  }
0x9a: {  	s5 =	simm.s32 $_scs_section_size  }
0x9b: {  	s6 =	simm.s32 $_size__tile_overlayer_lowered;
	s7 =	simm.s32 $_tile_overlayer_lowered  }
0x9c: {  	s22 =	simm.s32 $0x1BFF;
	s21 =	sshll.u32 s7, $0x1;
	s4 =	sadd.s32 s5, s19  }
0x9d: {  	s8 =	simm.s32 $0x0;
	s20 =	sshll.u32 s6, $0x1;
	s6 =	sadd.s32 s21, s4  }
0x9e: {  	[timem:s8], [sflag:s22] =	dma.local [hbm:s6], s20  }
0x9f: {  	_ =	swait.ge [sflag:s22], s20  }
0xa0: {  	s5 =	ssub.s32 $0x0, s20;
	[sflag:s22] =	ssyncset.done $0x0  }
0xa1: {  	[sflag:s22] =	ssyncadd.s32 s5;
	_ =	sdelay $0x1  }
0xa2: {  	s23 =	simm.s32 $0x1B8B  }
0xa3: {  	_ =	swait.ge [sflag:s23], $0x1  }
0xa4: {  	[sflag:s23] =	ssyncset.done $0x0  }
0xa5: {  	s25 =	simm.s32 $0x1B8E;
	s24 =	sld [smem:$0x3FFE];
	[sflag:s23] =	ssyncadd.s32 $0xFFFFFFFF  }
0xa6: {  	s26 =	simm.s32 $execute0_lowered;
	[smem:$0x3FD2] =	sst s25  }
0xa7: {  	s6 =	sshll.u32 s26, $0x1;
	_ =	strace $0x80000046;
	[dreg:$0x1] =	wrdreg $0xFFFFFFFF  }
0xa8: {  	s28 =	simm.s32 $_size_execute0_lowered;
	s4 =	sadd.s32 s4, s6;
	[dreg:$0x0] =	wrdreg $0x0  }
0xa9: {  	s6 =	sshll.u32 s28, $0x1;
	[dreg:$0x2] =	wrdreg s4  }
0xaa: {  	[dreg:$0x3] =	wrdreg s6  }
0xab: {  	[dreg:$0x4] =	wrdreg $0xC0  }
0xac: {  	_ =	task [dreg:s8], $0x5FFFF  }
0xad: {  	[dreg:$0x1] =	wrdreg $0xFFFFFFFF  }
0xae: {  	[dreg:$0x0] =	wrdreg $0x60  }
0xaf: {  	[dreg:$0x2] =	wrdreg s2  }
0xb0: {  	[dreg:$0x3] =	wrdreg s18  }
0xb1: {  	[dreg:$0x4] =	wrdreg s24  }
0xb2: {  	[dreg:$0x5] =	wrdreg $0x1D8000  }
0xb3: {  	[dreg:$0x6] =	wrdreg $0x9  }
0xb4: {  	_ =	task.clear_ibuf [dreg:s8], $0x7FFFF;
	_ =	strace $0x90000046  }
0xb5: {  	s29 =	simm.s32 $0x9;
	_ =	strace $0x80000048  }
0xb6: {  	_ =	swait.ge [sflag:s29], $0x1  }
0xb7: {  	[sflag:s29] =	ssyncadd.s32 $0xFFFFFFFF  }
0xb8: {  	_ =	strace $0x90000048  }
0xb9: {  	_ =	sfence  }
0xba: {  	s30 =	sld [smem:$0x0];
	_ =	sdelay $0x2  }
0xbb: {  	s31 =	sshll.u32 s1, $0xD;
	s1 =	sshrl.u32 s1, $0x2  }
0xbc: {  	s3 =	sand.u32 $0x4000, s31;
	s1 =	sadd.s32 s1, s30  }
0xbd: {  	s0 =	sor.u32 s3, s0;
	s1 =	sshll.u32 s1, $0x11  }
0xbe: {  	s0 =	sor.u32 s1, s0  }
0xbf: {  	s0 =	sadd.s32 $0x8F2B, s0  }
0xc0: {  	[sflag:s0] =	ssyncadd.remote.s32 $0x1  }
0xc1: {  	_ =	sfence.sel $0xFFFF  }
0xc2: {  	[dreg:$0x0] =	wrdreg $0xFFFFFFFF;
	(pc) =	sbr.abs _section_cstart, $3  }
0xc3: {  	[dreg:$0x1] =	wrdreg $0xFFFFFFFF  }
0xc4: {  	_ =	task.clear_ibuf [dreg:s8], $0x2FFFF;
	_ =	strace $0x9FFFFFFF  }
0xc5: {  	(tm) =	ssettm $0x7FFFFFFF  }
tec
execute0_lowered:
.L_overlay_start_1:
0x0: {  	(tag) =	ssettag $0x1  }
0x1: {  	s1 =	rddreg [dreg:$0x0]  }
0x2: {  	s2 =	rddreg [dreg:$0x1]  }
0x3: {  	s0 =	rddreg [dreg:$0x2];
	s3 =	srdreg.scid  }
0x4: {  	s10 =	stileid.u32;
	s4 =	rddreg [dreg:$0x3];
	s5 =	simm.s32 $0x0  }
0x5: {  	s20 =	simm.s32 $0x1000;
	s21 =	simm.s32 $0x3;
	s28 =	simm.s32 $0xC40  }
0x6: {  	s29 =	simm.s32 $0x1D80;
	s30 =	simm.s32 $0x2A00;
	s31 =	simm.s32 $0x0  }
0x7: {  	s3 =	sand.u32 $0x1, s3;
	s6 =	smul.u32 $0xC40, s10;
	[smem:$0x7FF] =	sst s5  }
0x8: {  	s7 =	smul.u32 $0xC400, s3;
	s8 =	sshll.u32 s3, $0x4;
	s3 =	ssub.s32 $0x2, s3  }
0x9: {  	_ =	strace $0x80000047;
	s8 =	sor.u32 s10, s8;
	s10 =	smul.u32 $0x3420, s10  }
0xa: {  	s9 =	sshrl.u32 s3, $0x1;
	s7 =	sadd.s32 s6, s7;
	s8 =	smul.u32 $0xC350, s8  }
0xb: {  	s3 =	ssub.s32 s3, s9;
	s6 =	sadd.s32 s6, s4;
	s7 =	sshrl.u32 s7, $0x3  }
0xc: {  	s25 =	sshrl.u32 s10, $0x2;
	[dreg:$0xa] =	wrdreg s6;
	s16 =	smax.u32 s3, $0x1  }
0xd: {  	s0 =	sadd.s32 s7, s0;
	s22 =	sshrl.u32 s8, $0x3;
	s23 =	sadd.s32 $0x3E8, s8  }
0xe: {  	s12 =	sadd.s32 $0xBB8, s8;
	s11 =	sadd.s32 s1, s22;
	s7 =	sadd.s32 s2, s22  }
0xf: {  	s9 =	sshrl.u32 s23, $0x3;
	s15 =	sadd.s32 $0x600, s0;
	s22 =	simm.s32 $0x1  }
.Ltmp0:
0x10: {  	[dreg:$0x5] =	wrdreg s11;
	s24 =	sadd.s32 s1, s9;
	(pc) =	sbr.rel .LBB2_1-.Ltmp0, $4  }
0x11: {  	s23 =	simm.s32 $0x3700;
	s9 =	sadd.s32 s2, s9;
	[dreg:$0x6] =	wrdreg s24  }
0x12: {  	s11 =	sadd.s32 $0x7D0, s8;
	s26 =	sadd.s32 $0x1868, s7;
	[dreg:$0x7] =	wrdreg s9  }
0x13: {  	s9 =	sadd.s32 s25, s4;
	[dreg:$0x9] =	wrdreg s26;
	s24 =	simm.s32 $0x10780  }
0x14: {  	v0 =	vimm.f32 $0.0e+00;
	v1 =	vlaneseq.u32;
	s25 =	simm.s32 $0x2;
	s26 =	simm.s32 $0x3680;
	[dreg:$0x8] =	wrdreg s9  }
.LBB2_17:
0x15: {  	[bflag:$0x0] =	sbarrier.arrive $0xFFFF  }
0x16: {  	s0 =	rddreg [dreg:$0xa]  }
0x17: {  	[tilespmem:s20], [sflag:$0x3] =	stream.linear.gather [spmem:s0], $0xC40, $0x38;
	[tilespmem:$0x1E508] =	vst v63  }
0x18: {  	s31 =	sadd.s32 $0x1, s31;
	_ =	swait.ge [sflag:s21], $0xC40  }
0x19: {  	p0 =	sne.s32 s31, s16;
	[sflag:s21] =	ssyncset.done $0x0  }
.Ltmp1:
0x1a: {  	[sflag:s21] =	ssyncadd.s32 $0xFFFFF3C0;
	(pc) =	sbr.rel @!p0 .LBB2_18-.Ltmp1, $4  }
0x1b: {  	[hbm4b:s15+s5] =	stream.linear.scatter [tilespmem:s20], [sflag:$0x3], $0xC40, $0x38;
	[tilespmem:$0x1E508] =	vst v63  }
0x1c: {  	_ =	swait.ge [sflag:s21], $0xC40  }
0x1d: {  	[sflag:s21] =	ssyncset.done $0x0  }
0x1e: {  	[sflag:s21] =	ssyncadd.s32 $0xFFFFF3C0  }
.LBB2_1:
0x1f: {  	s0 =	rddreg [dreg:$0x5]  }
0x20: {  	[tilespmem:s5], [sflag:$0x1] =	stream.linear.gather [hbm4b:s0+s5], $0x3E8, $0x38;
	[tilespmem:$0x1E508] =	vst v63  }
0x21: {  	s14 =	simm.s32 $0x400  }
0x22: {  	[tilespmem:s14], [sflag:$0x1] =	stream.linear.gather [hbm4b:s7+s5], $0x3E8, $0x38;
	[tilespmem:$0x1E508] =	vst v63  }
0x23: {  	s17 =	rddreg [dreg:$0x6];
	s3 =	simm.s32 $0x800  }
0x24: {  	[tilespmem:s3], [sflag:$0x2] =	stream.linear.gather [hbm4b:s17+s5], $0x3E8, $0x38;
	[tilespmem:$0x1E508] =	vst v63  }
0x25: {  	s18 =	rddreg [dreg:$0x7];
	s19 =	simm.s32 $0xC00;
	s0 =	simm.s32 $0x0  }
0x26: {  	[tilespmem:s19], [sflag:$0x2] =	stream.linear.gather [hbm4b:s18+s5], $0x3E8, $0x38;
	[tilespmem:$0x1E508] =	vst v63  }
.LBB2_2:
0x27: {  	p0 =	sne.s32 s0, $0x341C0  }
.Ltmp2:
0x28: {  	_ = 	snop;
	(pc) =	sbr.rel @p0 .LBB2_2-.Ltmp2, $4  }
0x29: {  	_ = 	snop  }
0x2a: {  	s3 =	sshra.s32 s0, $0x2  }
0x2b: {  	[tilespmem:s3+$0x3700] =	vst v0  }
0x2c: {  	s0 =	sadd.s32 $0x40, s0;
	[tilespmem:s3+$0x10780] =	vst v0  }
0x2d: {  	s0 =	simm.s32 $0x40;
	s3 =	simm.s32 $0x0  }
.LBB2_4:
0x2e: {  	p0 =	sne.s32 s0, $0x3400;
	[tilespmem:s3+$0x1000] =	vst v0;
	s3 =	smov.u32 s0;
	s0 =	sadd.s32 $0x40, s0  }
.Ltmp3:
0x2f: {  	(pc) =	sbr.rel @p0 .LBB2_4-.Ltmp3, $2  }
0x30: {  	_ =	sdelay $0x2  }
0x31: {  	s3 =	sshra.s32 s3, $0x2  }
0x32: {  	[tilespmem:s3+$0x1000] =	vst v0;
	s0 =	rddreg [dreg:$0x8]  }
0x33: {  	[spmem:s0] =	stream.linear.scatter [tilespmem:s20], [sflag:$0x3], $0xD08, $0x38;
	[tilespmem:$0x1E508] =	vst v63  }
0x34: {  	_ =	swait.ge [sflag:s21], $0xD08  }
0x35: {  	[sflag:s21] =	ssyncset.done $0x0  }
0x36: {  	[sflag:s21] =	ssyncadd.s32 $0xFFFFF2F8  }
0x37: {  	s3 =	simm.s32 $0x0;
	[bflag:$0x0] =	sbarrier.arrive $0xFFFF  }
.LBB2_6:
0x38: {  	_ =	swait.ge [sflag:s22], $0x3E8;
	p0 =	seq.s32 s3, $0x18  }
0x39: {  	[sflag:s22] =	ssyncset.done $0x0;
	s0 =	smul.u32 @!p0 $0x7D0, s3  }
0x3a: {  	[sflag:s22] =	ssyncadd.s32 $0xFFFFFC18  }
0x3b: {  	_ =	swait.ge [sflag:s22], $0x3E8;
	s6 =	sadd.s32 @!p0 s0, s11  }
0x3c: {  	[sflag:s22] =	ssyncset.done $0x0;
	s6 =	sshrl.u32 @!p0 s6, $0x3  }
0x3d: {  	s9 =	simm.s32 @!p0 $0x0;
	[sflag:s22] =	ssyncadd.s32 $0xFFFFFC18;
	s8 =	sadd.s32 @!p0 s1, s6  }
0x3e: {  	[tilespmem:s9], [sflag:$0x1] =	stream.linear.gather @!p0 [hbm4b:s8+s9], $0x3E8, $0x38;
	[tilespmem:$0x1E508] =	vst v63  }
0x3f: {  	s19 =	simm.s32 $0x0;
	s6 =	sadd.s32 @!p0 s2, s6;
	s8 =	simm.s32 @!p0 $0x400  }
0x40: {  	[tilespmem:s8], [sflag:$0x1] =	stream.linear.gather @!p0 [hbm4b:s6+s9], $0x3E8, $0x38;
	[tilespmem:$0x1E508] =	vst v63  }
0x41: {  	v2 =	vld [tilespmem:s19+$0x400];
	_ =	sdelay $0x4  }
0x42: {  	(xrf1) =	vunique.msk.u32 $0xffff, v2;
	_ =	sdelay $0x3  }
0x43: {  	v3 =	vld [tilespmem:s19+$0x0];
	_ =	sdelay $0x4  }
0x44: {  	(xrf2) =	vadd.scan.msk.f32 $0xffff, v3;
	_ =	sdelay $0x4  }
0x45: {  	_, v4, vm1 =	vpop (xrf1);
	_ =	sdelay $0x1  }
0x46: {  	vm0 =	veq.s32 v4, $0x0;
	_ =	sdelay $0x2  }
0x47: {  	v5, _, _ =	vpop (xrf2)  }
0x48: {  	s17 =	simm.s32 $0x80;
	s6 =	simm.s32 $0x40;
	v3 =	vsub.f32 v3, v5;
	[tilespmem:v2+s23+$0x0] =	vst.idx.add.f32.msk vm1, v5  }
.LBB2_7:
0x49: {  	p1 =	sne.s32 s17, $0xF80  }
0x4a: {  	s8 =	sshra.s32 s6, $0x2;
	[tilespmem:v2+s24+$0x0] =	vst.idx.add.f32.msk vm0, v3;
	s6 =	smov.u32 s17;
	s17 =	sadd.s32 $0x40, s17  }
0x4b: {  	v2 =	vld [tilespmem:s8+$0x400];
	_ =	sdelay $0x4  }
0x4c: {  	(xrf1) =	vunique.msk.u32 $0xffff, v2;
	_ =	sdelay $0x2  }
0x4d: {  	v3 =	vld [tilespmem:s8+$0x0];
	_ =	sdelay $0x4  }
0x4e: {  	(xrf2) =	vadd.scan.msk.f32 $0xffff, v3;
	_ =	sdelay $0x5  }
0x4f: {  	_, v4, vm1 =	vpop (xrf1)  }
0x50: {  	vm0 =	veq.s32 v4, $0x0  }
.Ltmp4:
0x51: {  	(pc) =	sbr.rel @p1 .LBB2_7-.Ltmp4, $4  }
0x52: {  	_ = 	snop  }
0x53: {  	v4, _, _ =	vpop (xrf2)  }
0x54: {  	v3 =	vsub.f32 v3, v4  }
0x55: {  	[tilespmem:v2+s23+$0x0] =	vst.idx.add.f32.msk vm1, v4  }
0x56: {  	_ =	sdelay $0x4  }
0x57: {  	s6 =	sshra.s32 s6, $0x2;
	[tilespmem:v2+s24+$0x0] =	vst.idx.add.f32.msk vm0, v3  }
0x58: {  	v2 =	vld [tilespmem:s6+$0x400];
	_ =	sdelay $0x4  }
0x59: {  	(xrf1) =	vunique.msk.u32 $0xffff, v2;
	_ =	sdelay $0x2  }
0x5a: {  	v3 =	vld [tilespmem:s6+$0x0];
	_ =	sdelay $0x4  }
0x5b: {  	(xrf2) =	vadd.scan.msk.f32 $0xffff, v3;
	_ =	sdelay $0x5  }
0x5c: {  	_, v4, vm0 =	vpop (xrf1)  }
0x5d: {  	vm1 =	veq.s32 v4, $0x0;
	_ =	sdelay $0x2  }
0x5e: {  	v4, _, _ =	vpop (xrf2)  }
0x5f: {  	v3 =	vsub.f32 v3, v4  }
0x60: {  	[tilespmem:v2+s23+$0x0] =	vst.idx.add.f32.msk vm0, v4  }
0x61: {  	[tilespmem:v2+s24+$0x0] =	vst.idx.add.f32.msk vm1, v3  }
0x62: {  	_ =	swait.ge [sflag:s25], $0x3E8  }
0x63: {  	[sflag:s25] =	ssyncset.done $0x0  }
0x64: {  	[sflag:s25] =	ssyncadd.s32 $0xFFFFFC18  }
0x65: {  	s0 =	sadd.s32 @!p0 s0, s12;
	_ =	swait.ge [sflag:s25], $0x3E8  }
0x66: {  	s8 =	simm.s32 @!p0 $0x0;
	s0 =	sshrl.u32 @!p0 s0, $0x3;
	[sflag:s25] =	ssyncset.done $0x0  }
0x67: {  	s9 =	simm.s32 @!p0 $0x800;
	s6 =	sadd.s32 @!p0 s1, s0;
	[sflag:s25] =	ssyncadd.s32 $0xFFFFFC18  }
0x68: {  	[tilespmem:s9], [sflag:$0x2] =	stream.linear.gather @!p0 [hbm4b:s6+s8], $0x3E8, $0x38;
	[tilespmem:$0x1E508] =	vst v63  }
0x69: {  	s19 =	simm.s32 $0x0;
	s0 =	sadd.s32 @!p0 s2, s0;
	s6 =	simm.s32 @!p0 $0xC00  }
0x6a: {  	[tilespmem:s6], [sflag:$0x2] =	stream.linear.gather @!p0 [hbm4b:s0+s8], $0x3E8, $0x38;
	[tilespmem:$0x1E508] =	vst v63  }
0x6b: {  	v2 =	vld [tilespmem:s19+$0xC00];
	_ =	sdelay $0x4  }
0x6c: {  	(xrf1) =	vunique.msk.u32 $0xffff, v2;
	_ =	sdelay $0x3  }
0x6d: {  	v3 =	vld [tilespmem:s19+$0x800];
	_ =	sdelay $0x4  }
0x6e: {  	(xrf2) =	vadd.scan.msk.f32 $0xffff, v3;
	_ =	sdelay $0x4  }
0x6f: {  	_, v4, vm1 =	vpop (xrf1);
	_ =	sdelay $0x1  }
0x70: {  	vm0 =	veq.s32 v4, $0x0;
	_ =	sdelay $0x2  }
0x71: {  	v5, _, _ =	vpop (xrf2)  }
0x72: {  	s0 =	simm.s32 $0x40;
	s6 =	simm.s32 $0x80;
	v3 =	vsub.f32 v3, v5;
	[tilespmem:v2+s23+$0x0] =	vst.idx.add.f32.msk vm1, v5  }
.LBB2_9:
0x73: {  	p0 =	sne.s32 s6, $0xF80  }
0x74: {  	s8 =	sshra.s32 s0, $0x2;
	[tilespmem:v2+s24+$0x0] =	vst.idx.add.f32.msk vm0, v3;
	s0 =	smov.u32 s6;
	s6 =	sadd.s32 $0x40, s6  }
0x75: {  	v2 =	vld [tilespmem:s8+$0xC00];
	_ =	sdelay $0x4  }
0x76: {  	(xrf1) =	vunique.msk.u32 $0xffff, v2;
	_ =	sdelay $0x2  }
0x77: {  	v3 =	vld [tilespmem:s8+$0x800];
	_ =	sdelay $0x4  }
0x78: {  	(xrf2) =	vadd.scan.msk.f32 $0xffff, v3;
	_ =	sdelay $0x5  }
0x79: {  	_, v4, vm1 =	vpop (xrf1)  }
0x7a: {  	vm0 =	veq.s32 v4, $0x0  }
.Ltmp5:
0x7b: {  	(pc) =	sbr.rel @p0 .LBB2_9-.Ltmp5, $4  }
0x7c: {  	_ = 	snop  }
0x7d: {  	v4, _, _ =	vpop (xrf2)  }
0x7e: {  	v3 =	vsub.f32 v3, v4  }
0x7f: {  	[tilespmem:v2+s23+$0x0] =	vst.idx.add.f32.msk vm1, v4  }
0x80: {  	_ =	sdelay $0x4  }
0x81: {  	s0 =	sshra.s32 s0, $0x2;
	[tilespmem:v2+s24+$0x0] =	vst.idx.add.f32.msk vm0, v3  }
0x82: {  	v2 =	vld [tilespmem:s0+$0xC00];
	_ =	sdelay $0x4  }
0x83: {  	(xrf1) =	vunique.msk.u32 $0xffff, v2;
	_ =	sdelay $0x2  }
0x84: {  	v3 =	vld [tilespmem:s0+$0x800];
	_ =	sdelay $0x4  }
0x85: {  	(xrf2) =	vadd.scan.msk.f32 $0xffff, v3;
	_ =	sdelay $0x5  }
0x86: {  	_, v4, vm15 =	vpop (xrf1)  }
0x87: {  	s3 =	sadd.s32 $0x1, s3;
	vm1 =	veq.s32 v4, $0x0  }
0x88: {  	p0 =	sne.s32 s3, $0x19  }
.Ltmp6:
0x89: {  	_ = 	snop;
	(pc) =	sbr.rel @p0 .LBB2_6-.Ltmp6, $4  }
0x8a: {  	v63, _, _ =	vpop (xrf2)  }
0x8b: {  	v3 =	vsub.f32 v3, v63  }
0x8c: {  	[tilespmem:v2+s23+$0x0] =	vst.idx.add.f32.msk vm15, v63  }
0x8d: {  	[tilespmem:v2+s24+$0x0] =	vst.idx.add.f32.msk vm1, v3  }
0x8e: {  	s3 =	simm.s32 $0x0  }
0x8f: {  	[tilespmem:s26], [sflag:$0x3] =	stream.linear.gather [hbm4b:s7+s3], $0x10, $0x38;
	[tilespmem:$0x1E508] =	vst v63  }
0x90: {  	_ =	swait.ge [sflag:s21], $0x10  }
0x91: {  	[sflag:s21] =	ssyncset.done $0x0  }
0x92: {  	[sflag:s21] =	ssyncadd.s32 $0xFFFFFFF0  }
0x93: {  	v2 =	vld [tilespmem:$0x3680];
	_ =	sdelay $0x4  }
0x94: {  	v2 =	vxor.u32 $0x80000000, v2  }
0x95: {  	(xrf0) =	vmin.scan.msk.u32 $0xffff, v2;
	_ =	sdelay $0x5  }
0x96: {  	v2, _, _ =	vpop (xrf0)  }
0x97: {  	(v2sf) =	vpush v2, $0xF;
	_ =	sdelay $0xc  }
0x98: {  	s6 =	rddreg [dreg:$0x9]  }
0x99: {  	[tilespmem:s26], [sflag:$0x3] =	stream.linear.gather [hbm4b:s6+s3], $0x10, $0x38;
	[tilespmem:$0x1E508] =	vst v63  }
0x9a: {  	s0 =	spop (v2sf)  }
0x9b: {  	_ =	swait.ge [sflag:s21], $0x10  }
0x9c: {  	[sflag:s21] =	ssyncset.done $0x0  }
0x9d: {  	[sflag:s21] =	ssyncadd.s32 $0xFFFFFFF0  }
0x9e: {  	v2 =	vld [tilespmem:$0x3680];
	_ =	sdelay $0x4  }
0x9f: {  	v2 =	vxor.u32 $0x80000000, v2  }
0xa0: {  	(xrf0) =	vmax.scan.msk.u32 $0xffff, v2;
	_ =	sdelay $0x5  }
0xa1: {  	v2, _, _ =	vpop (xrf0)  }
0xa2: {  	(v2sf) =	vpush v2, $0xF;
	_ =	sdelay $0x5  }
0xa3: {  	s0 =	sxor.u32 $0x80000000, s0  }
0xa4: {  	s19 =	smulhi.u32 $0x5397829D, s0;
	s0 =	sshra.s32 s0, $0x1F  }
0xa5: {  	s0 =	smul.u32 $0x5397829D, s0;
	_ =	sdelay $0x1  }
0xa6: {  	s0 =	sadd.s32 s0, s19  }
0xa7: {  	s6 =	sshrl.u32 s0, $0x1F;
	s0 =	sshra.s32 s0, $0xA  }
.Ltmp7:
0xa8: {  	s0 =	sadd.s32 s6, s0;
	(pc) =	sbr.rel .LBB2_12-.Ltmp7, $3  }
0xa9: {  	s6 =	smul.u32 $0x3100, s0;
	_ =	sdelay $0x1  }
0xaa: {  	s10 =	smul.u32 $0xC40, s0;
	s6 =	sshra.s32 s6, $0x2;
	s8 =	spop (v2sf)  }
0xab: {  	s18 =	sadd.s32 $0x3700, s6;
	s19 =	sadd.s32 $0x10780, s6;
	s17 =	sxor.u32 $0x80000000, s8  }
.LBB2_16:
0xac: {  	s3 =	sadd.s32 $0x1, s3  }
0xad: {  	p0 =	sne.s32 s3, $0x11  }
.Ltmp8:
0xae: {  	_ = 	snop;
	(pc) =	sbr.rel @!p0 .LBB2_17-.Ltmp8, $2  }
0xaf: {  	_ =	sdelay $0x2  }
0xb0: {  	s18 =	sadd.s32 $0xC40, s18;
	s19 =	sadd.s32 $0xC40, s19;
	s10 =	sadd.s32 $0xC40, s10  }
.LBB2_12:
0xb1: {  	s6 =	sadd.s32 s0, s3  }
0xb2: {  	s6 =	smul.u32 $0xC40, s6;
	_ =	sdelay $0x1  }
0xb3: {  	p0 =	sgt.s32 s6, s17  }
.Ltmp9:
0xb4: {  	_ = 	snop;
	(pc) =	sbr.rel @p0 .LBB2_16-.Ltmp9, $1  }
0xb5: {  	_ =	sdelay $0x3  }
0xb6: {  	v2 =	vor.u32 s10, v1;
	s8 =	simm.s32 $0x0  }
0xb7: {  	s13 =	sadd.s32 $0x0, s18;
	s9 =	simm.s32 $0x40;
	s6 =	smov.u32 s10;
	[tilespmem:s8+$0x1D80] =	vst v2  }
.LBB2_14:
0xb8: {  	p0 =	sne.s32 s9, $0x30C0;
	v2 =	vld [tilespmem:s13+$0x0];
	s13 =	sadd.s32 s8, s19;
	s6 =	sadd.s32 $0x10, s6  }
0xb9: {  	s14 =	sshra.s32 s9, $0x2;
	v3 =	vor.u32 s6, v1;
	v4 =	vld [tilespmem:s13+$0x0]  }
0xba: {  	[tilespmem:s14+$0x1D80] =	vst v3;
	_ =	sdelay $0x1  }
.Ltmp10:
0xbb: {  	(pc) =	sbr.rel @p0 .LBB2_14-.Ltmp10, $3  }
0xbc: {  	_ = 	snop  }
0xbd: {  	v2 =	vadd.f32 v4, v2;
	_ =	sdelay $0x1  }
0xbe: {  	s9 =	sadd.s32 $0x40, s9;
	s13 =	sadd.s32 s14, s18;
	[tilespmem:s8+$0x2A00] =	vst v2;
	s8 =	smov.u32 s14  }
0xbf: {  	v2 =	vld [tilespmem:s13+$0x0];
	s6 =	sadd.s32 s8, s19  }
0xc0: {  	v3 =	vld [tilespmem:s6+$0x0];
	_ =	sdelay $0x4  }
0xc1: {  	v2 =	vadd.f32 v3, v2;
	_ =	sdelay $0x1  }
.Ltmp11:
0xc2: {  	[tilespmem:s8+$0x2A00] =	vst v2;
	(pc) =	sbr.rel .LBB2_16-.Ltmp11, $4  }
0xc3: {  	[spmem:s4] =	stream.indirect.scatter.add.f32 [tilespmem:s30], [sflag:$0x3], $0x1, s29, s28, $0xb8;
	[tilespmem:$0x1E508] =	vst v63  }
0xc4: {  	_ =	swait.ge [sflag:s21], $0xC40  }
0xc5: {  	[sflag:s21] =	ssyncset.done $0x0  }
0xc6: {  	[sflag:s21] =	ssyncadd.s32 $0xFFFFF3C0  }
.LBB2_18:
0xc7: {  	_ =	sfence.sel $0x180000  }
0xc8: {  	[bflag:$0x0] =	sbarrier.arrive $0xFFFF  }
0xc9: {  	_ =	strace $0x90000047  }
0xca: {  	s0 =	stileid.u32;
	[bflag:$0x2] =	sbarrier.arrive $0xFFFF  }
0xcb: {  	p0 =	sne.s32 s0, $0x0;
	s0 =	rddreg [dreg:$0x4]  }
0xcc: {  	s0 =	sadd.s32 @!p0 $0x100000, s0  }
0xcd: {  	[sflag:s0] =	ssyncadd.tile.s32 @!p0 $0x1;
	_ =	shalt  }
.Lfunc_end2:
_tile_overlayer_lowered:
.L_overlay_start_2:
0xce: {  	(tag) =	ssettag $0x2  }
0xcf: {  	s0 =	rddreg [dreg:$0x0];
	s2 =	stileid.u32  }
0xd0: {  	s1 =	rddreg [dreg:$0x1];
	p0 =	sne.s32 s2, $0x0  }
0xd1: {  	s3 =	rddreg [dreg:$0x2];
	[bflag:$0x3] =	sbarrier.arrive $0xFFFF;
	s2 =	simm.s32 @!p0 $0x1C03  }
0xd2: {  	[timem:s3], [sflag:s2] =	dma.local @!p0 [hbm:s0], s1  }
0xd3: {  	s0 =	simm.s32 @!p0 $0x3  }
0xd4: {  	_ =	swait.ge @!p0 [sflag:s0], s1  }
0xd5: {  	s1 =	ssub.s32 @!p0 $0x0, s1;
	[sflag:s0] =	ssyncset.done @!p0 $0x0  }
0xd6: {  	[sflag:s0] =	ssyncadd.s32 @!p0 s1  }
0xd7: {  	[bflag:$0x3] =	sbarrier.arrive $0xFFFF  }
0xd8: {  	_ =	shalt  }

</sc_bundles>
